<compile_context>
chip_gen: v7x
topology: tpu7x:2x2x1
jax: 0.10.2.dev20260603
libtpu: 0.0.44.dev20260713+nightly
codegen_flags: <defaults>
</compile_context>

<pallas_src>
import functools

import numpy as np
import jax
import jax.numpy as jnp
from jax import lax
from jax.experimental import pallas as pl
from jax.experimental.pallas import tpu as pltpu
from jax.experimental.pallas import tpu_sc as plsc

_B, _N, _L, _D = 2, 1024, 64, 128


def _grid_adjacency(num_ins):
    sq = int(np.sqrt(num_ins))
    grid = np.arange(num_ins).reshape(sq, sq)
    s_idx, t_idx = [], []
    for i in range(sq):
        for j in range(sq):
            nbrs = []
            for (di, dj) in ((1, 0), (-1, 0), (0, 1), (0, -1)):
                ni, nj = i + di, j + dj
                if 0 <= ni < sq and 0 <= nj < sq:
                    nbrs.append(grid[ni, nj])
            s_idx.extend([grid[i, j]] * len(nbrs))
            t_idx.extend(nbrs)
    return np.asarray(s_idx, np.int32), np.asarray(t_idx, np.int32)


def _static_indices():
    s, t = _grid_adjacency(_N)
    e_ins = s.shape[0]
    ei_ins = np.stack([
        np.concatenate([s + b * _N for b in range(_B)]),
        np.concatenate([t + b * _N for b in range(_B)]),
    ]).astype(np.int32)
    e = np.arange(_L * _L)
    ei_lab = np.stack([
        np.concatenate([e // _L + b * _L for b in range(_B)]),
        np.concatenate([e % _L + b * _L for b in range(_B)]),
    ]).astype(np.int32)
    src_all = np.concatenate([s + b * _N for b in range(_B)]).astype(np.int32)
    tgt_all = np.concatenate([t + b * _N for b in range(_B)]).astype(np.int32)
    return ei_ins, ei_lab, src_all, tgt_all, e_ins


_EI_INS, _EI_LAB, _SRC_ALL, _TGT_ALL, _E_INS = _static_indices()


_BLK_I = 64


def _cross_body(bbox_ref, label_ref, out_ref):
    pid_n = pl.program_id(1)
    i0 = pid_n * _BLK_I
    icol = (
        jax.lax.broadcasted_iota(jnp.int32, (_BLK_I, _L, 1), 0) + i0
    ).astype(jnp.float32)
    jcol = jax.lax.broadcasted_iota(jnp.int32, (_BLK_I, _L, 1), 1).astype(
        jnp.float32
    )
    bbox = bbox_ref[0]
    label = label_ref[0]
    bbox_rep = jnp.broadcast_to(bbox[:, None, :], (_BLK_I, _L, _D))
    label_rep = jnp.broadcast_to(label[None, :, :], (_BLK_I, _L, _D))
    out_ref[:] = jnp.concatenate([icol, jcol, bbox_rep, label_rep], axis=2)


def _cross(bbox_info, label_feats):
    n_tiles = _N // _BLK_I
    out = pl.pallas_call(
        _cross_body,
        grid=(_B, n_tiles),
        in_specs=[
            pl.BlockSpec((1, _BLK_I, _D), lambda b, n: (b, n, 0)),
            pl.BlockSpec((1, _L, _D), lambda b, n: (b, 0, 0)),
        ],
        out_specs=pl.BlockSpec(
            (_BLK_I, _L, 2 + 2 * _D), lambda b, n: (b * n_tiles + n, 0, 0)
        ),
        out_shape=jax.ShapeDtypeStruct((_B * _N, _L, 2 + 2 * _D), jnp.float32),
        compiler_params=pltpu.CompilerParams(
            dimension_semantics=("parallel", "parallel"),
        ),
    )(bbox_info, label_feats)
    return out.reshape(_B * _N * _L, 2 + 2 * _D)


def _ealab_body(label_ref, out_ref):
    lab = label_ref[0]
    rep = jnp.broadcast_to(lab[:, None, :], (_L, _L, _D)).reshape(_L * _L, _D)
    til = jnp.broadcast_to(lab[None, :, :], (_L, _L, _D)).reshape(_L * _L, _D)
    out_ref[:] = jnp.concatenate([rep, til], axis=1)


def _ealab(label_feats):
    return pl.pallas_call(
        _ealab_body,
        grid=(_B,),
        in_specs=[pl.BlockSpec((1, _L, _D), lambda b: (b, 0, 0))],
        out_specs=pl.BlockSpec((_L * _L, 2 * _D), lambda b: (b, 0)),
        out_shape=jax.ShapeDtypeStruct((_B * _L * _L, 2 * _D), jnp.float32),
        compiler_params=pltpu.CompilerParams(
            dimension_semantics=("parallel",),
        ),
    )(label_feats)


_E_TOT = 7936
_EPW = _E_TOT // 32


def _sc_gather_body(src_hbm, tgt_hbm, bbox_hbm, gs_hbm, gt_hbm,
                    idx_s, idx_t, rows_s, rows_t, sem):
    wid = lax.axis_index("s") * 2 + lax.axis_index("c")
    base = wid * _EPW
    pltpu.sync_copy(src_hbm.at[pl.ds(base, _EPW)], idx_s)
    pltpu.sync_copy(tgt_hbm.at[pl.ds(base, _EPW)], idx_t)
    for i0, n in ((0, 128), (128, _EPW - 128)):
        pltpu.async_copy(
            bbox_hbm.at[idx_s.at[pl.ds(i0, n)]], rows_s.at[pl.ds(i0, n)], sem
        ).wait()
        pltpu.async_copy(
            bbox_hbm.at[idx_t.at[pl.ds(i0, n)]], rows_t.at[pl.ds(i0, n)], sem
        ).wait()
    pltpu.sync_copy(rows_s, gs_hbm.at[pl.ds(base, _EPW)])
    pltpu.sync_copy(rows_t, gt_hbm.at[pl.ds(base, _EPW)])


@functools.partial(
    pl.kernel,
    mesh=plsc.VectorSubcoreMesh(core_axis_name="c", subcore_axis_name="s"),
    out_type=[
        jax.ShapeDtypeStruct((_E_TOT, _D), jnp.float32),
        jax.ShapeDtypeStruct((_E_TOT, _D), jnp.float32),
    ],
    scratch_types=[
        pltpu.VMEM((_EPW,), jnp.int32),
        pltpu.VMEM((_EPW,), jnp.int32),
        pltpu.VMEM((_EPW, _D), jnp.float32),
        pltpu.VMEM((_EPW, _D), jnp.float32),
        pltpu.SemaphoreType.DMA,
    ],
)
def _sc_gather(*args):
    _sc_gather_body(*args)


def _asm_body(gs_ref, gt_ref, out_ref):
    out_ref[:] = jnp.concatenate([gs_ref[:], gt_ref[:]], axis=1)


def _eains(bbox2d):
    gs, gt = _sc_gather(jnp.asarray(_SRC_ALL), jnp.asarray(_TGT_ALL), bbox2d)
    blk = _E_TOT // 16
    return pl.pallas_call(
        _asm_body,
        grid=(16,),
        in_specs=[
            pl.BlockSpec((blk, _D), lambda e: (e, 0)),
            pl.BlockSpec((blk, _D), lambda e: (e, 0)),
        ],
        out_specs=pl.BlockSpec((blk, 2 * _D), lambda e: (e, 0)),
        out_shape=jax.ShapeDtypeStruct((_E_TOT, 2 * _D), jnp.float32),
        compiler_params=pltpu.CompilerParams(
            dimension_semantics=("parallel",),
        ),
    )(gs, gt)


def kernel(bbox_info, label_feats):
    bbox2d = bbox_info.reshape(_B * _N, _D)
    lab2d = label_feats.reshape(_B * _L, _D)
    x_ins = bbox2d
    x_lab = lab2d
    ei_ins = jnp.asarray(_EI_INS)
    ei_lab = jnp.asarray(_EI_LAB)
    cross = _cross(bbox_info, label_feats)
    ea_ins = _eains(bbox2d)
    ea_lab = _ealab(label_feats)
    return (x_ins, ei_ins, ea_ins, x_lab, ei_lab, ea_lab, cross)

# --- scband reference (transcript-rebuilt; emitter-appended) ---
"""Pipeline reference for scband-graph-generator-72215580115029 (READ-ONLY COPY).

The authoritative reference and input builder live on the scoring server;
editing this copy changes nothing except your own understanding.
"""

import jax, jax.numpy as jnp
import numpy as np

B, N, L, D = 2, 1024, 64, 128


def get_adjacent_cells(num_ins):
    sq = int(np.sqrt(num_ins))
    grid = np.arange(num_ins).reshape((sq, sq))
    s_idx = []
    t_idx = []
    for i in range(sq):
        for j in range(sq):
            s_ins = grid[i, j]
            w = np.asarray(list({(i, j)}))
            adj_idxs = []
            for col in range(w.shape[1]):
                w_ = w.copy()
                w_[:, col] += 1
                adj_idxs.extend(list(w_))
                w_ = w.copy()
                w_[:, col] -= 1
                adj_idxs.extend(list(w_))
            adj_idxs = np.array(adj_idxs)
            for col, dim_size in enumerate(grid.shape):
                adj_idxs = adj_idxs[(adj_idxs[:, col] >= 0) & (adj_idxs[:, col] < dim_size)]
            t_ins = [grid[idx] for idx in list(map(tuple, adj_idxs))]
            s_idx.append(list(np.array(s_ins).repeat(len(t_ins))))
            t_idx.append(t_ins)
    s = np.array([i for p in s_idx for i in p]).reshape(-1, 1)
    t = np.array([i for p in t_idx for i in p]).reshape(-1, 1)
    return s, t


_ADJ_CACHE = {}

def _adjacency(num_ins):
    if num_ins not in _ADJ_CACHE:
        _ADJ_CACHE[num_ins] = get_adjacent_cells(num_ins)
    return _ADJ_CACHE[num_ins]


def build_graph(bbox_info, label_feats):
    num_ins, num_label = bbox_info.shape[0], label_feats.shape[0]
    # instance graph (grid adjacency)
    s_idx, t_idx = _adjacency(num_ins)
    edge_idx_ins = jnp.asarray(np.concatenate((s_idx, t_idx), axis=1).T.astype(np.int32))
    edge_attr_ins = jnp.concatenate((bbox_info[edge_idx_ins[0, :]], bbox_info[edge_idx_ins[1, :]]), axis=1)
    kwargs = [num_ins, num_label]
    # cross edges
    bbox_idx_C = np.arange(num_ins).repeat(num_label).reshape(-1, 1)
    label_idx_C = np.tile(np.arange(num_label).reshape(-1, 1), (num_ins, 1))
    edge_index_C = jnp.asarray(np.concatenate((bbox_idx_C, label_idx_C), axis=1).astype(np.int32))
    edge_attr_C = jnp.concatenate((bbox_info[edge_index_C[:, 0]], label_feats[edge_index_C[:, 1]]), axis=1)
    cross_edge = jnp.concatenate((edge_index_C.astype(jnp.float32), edge_attr_C.astype(jnp.float32)), axis=1)
    # label graph (dense)
    label_idx = np.arange(num_label).repeat(num_label).reshape(-1, num_label)
    label_idx1 = label_idx.reshape(-1, 1)
    label_idx2 = label_idx.T.reshape(-1, 1)
    edge_idx_label = jnp.asarray(np.concatenate((label_idx1, label_idx2), axis=1).T.astype(np.int32))
    edge_attr_label = jnp.concatenate((label_feats[edge_idx_label[0, :]], label_feats[edge_idx_label[1, :]]), axis=1)
    return edge_idx_ins, edge_attr_ins, kwargs, edge_idx_label, edge_attr_label, cross_edge


def setup_inputs(seed: int = 0) -> dict:
    key = jax.random.key(seed)
    k1, k2 = jax.random.split(key)
    bbox_info = jax.random.uniform(k1, (B, N, D), dtype=jnp.float32)
    label_feats = jax.random.normal(k2, (B, L, D), dtype=jnp.float32)
    return {"bbox_info": bbox_info, "label_feats": label_feats}


def reference(bbox_info, label_feats):
    x_ins_b, ei_ins_b, ea_ins_b = [], [], []
    x_lab_b, ei_lab_b, ea_lab_b, cross_b = [], [], [], []
    node_sum = 0
    labe_sum = 0
    kwargs_ins = []
    for i in range(bbox_info.shape[0]):
        ei_ins, ea_ins, kwargs, ei_lab, ea_lab, cross = build_graph(bbox_info[i], label_feats[i])
        x_ins_b.append(bbox_info[i])
        ei_ins_b.append(ei_ins + node_sum)
        ea_ins_b.append(ea_ins)
        kwargs_ins.append(kwargs)
        x_lab_b.append(label_feats[i])
        ei_lab_b.append(ei_lab + labe_sum)
        ea_lab_b.append(ea_lab)
        cross_b.append(cross)
        node_sum += bbox_info[i].shape[0]
        labe_sum += label_feats[i].shape[0]
    x_ins = jnp.concatenate(x_ins_b)
    ei_ins = jnp.concatenate(ei_ins_b, axis=1)
    ea_ins = jnp.concatenate(ea_ins_b)
    x_lab = jnp.concatenate(x_lab_b)
    ei_lab = jnp.concatenate(ei_lab_b, axis=1)
    ea_lab = jnp.concatenate(ea_lab_b)
    cross = jnp.concatenate(cross_b)
    return (x_ins, ei_ins, ea_ins, x_lab, ei_lab, ea_lab, cross)

if __name__ == "__main__":
    import jax
    _d = setup_inputs()
    print(jax.jit(kernel)(*tuple(_d.values())))

</pallas_src>

<mosaic_0001>
#map = affine_map<(d0, d1) -> (0)>
#map1 = affine_map<(d0, d1) -> (0, 0)>
module attributes {stable_mosaic.version = 14 : i64} {
  func.func @_sc_gather(%arg0: i32, %arg1: i32, %arg2: memref<7936xi32, #tpu.memory_space<hbm>>, %arg3: memref<7936xi32, #tpu.memory_space<hbm>>, %arg4: memref<2048x128xf32, #tpu.memory_space<hbm>>, %arg5: memref<7936x128xf32, #tpu.memory_space<hbm>>, %arg6: memref<7936x128xf32, #tpu.memory_space<hbm>>, %arg7: memref<248xi32, #tpu.memory_space<vmem>>, %arg8: memref<248xi32, #tpu.memory_space<vmem>>, %arg9: memref<248x128xf32, #tpu.memory_space<vmem>>, %arg10: memref<248x128xf32, #tpu.memory_space<vmem>>, %arg11: memref<!tpu.dma_semaphore, #tpu.memory_space<semaphore_mem>>) attributes {dimension_semantics = [#tpu.dimension_semantics<core_parallel>, #tpu.dimension_semantics<subcore_parallel>], iteration_bounds = array<i64: 2, 16>, scalar_prefetch = 0 : i64, scratch_operands = 5 : i64, tpu.core_type = #tpu.core_type<sc_vector_subcore>, window_params = [{transform_indices = #map}, {transform_indices = #map}, {transform_indices = #map1}, {transform_indices = #map1}, {transform_indices = #map1}]} {
    %mul3A = arith.constant 2 : i32
    %mul3A_0 = arith.muli %arg1, %mul3A : i32
    %add3A = arith.addi %mul3A_0, %arg0 : i32
    %mul3A_1 = arith.constant 248 : i32
    %mul3A_2 = arith.muli %add3A, %mul3A_1 : i32
    "tpu.region"() ({
      %run_scoped3A = tpu.sem_alloc : memref<!tpu.dma_semaphore, #tpu.memory_space<semaphore_mem>>
      %dma_start3A_65 = tpu.memref_slice %arg2[%mul3A_2] : memref<7936xi32, #tpu.memory_space<hbm>> -> memref<248xi32, #tpu.memory_space<hbm>>
      %dma_start3A_66 = tpu.memref_slice %arg2[%mul3A_2] : memref<7936xi32, #tpu.memory_space<hbm>> -> memref<248xi32, #tpu.memory_space<hbm>>
      tpu.enqueue_dma source(%dma_start3A_66 : memref<248xi32, #tpu.memory_space<hbm>>) target(%arg7 : memref<248xi32, #tpu.memory_space<vmem>>) target_semaphore(%run_scoped3A : memref<!tpu.dma_semaphore, #tpu.memory_space<semaphore_mem>>)
      %dma_wait3A_67 = tpu.memref_slice %arg2[%mul3A_2] : memref<7936xi32, #tpu.memory_space<hbm>> -> memref<248xi32, #tpu.memory_space<hbm>>
      %dma_wait3A_68 = tpu.memref_slice %arg2[%mul3A_2] : memref<7936xi32, #tpu.memory_space<hbm>> -> memref<248xi32, #tpu.memory_space<hbm>>
      tpu.wait_dma2 semaphore(%run_scoped3A : memref<!tpu.dma_semaphore, #tpu.memory_space<semaphore_mem>>) src(%dma_wait3A_68 : memref<248xi32, #tpu.memory_space<hbm>>) dst(%arg7 : memref<248xi32, #tpu.memory_space<vmem>>)
      tpu.yield
    }) : () -> ()
    "tpu.region"() ({
      %run_scoped3A = tpu.sem_alloc : memref<!tpu.dma_semaphore, #tpu.memory_space<semaphore_mem>>
      %dma_start3A_65 = tpu.memref_slice %arg3[%mul3A_2] : memref<7936xi32, #tpu.memory_space<hbm>> -> memref<248xi32, #tpu.memory_space<hbm>>
      %dma_start3A_66 = tpu.memref_slice %arg3[%mul3A_2] : memref<7936xi32, #tpu.memory_space<hbm>> -> memref<248xi32, #tpu.memory_space<hbm>>
      tpu.enqueue_dma source(%dma_start3A_66 : memref<248xi32, #tpu.memory_space<hbm>>) target(%arg8 : memref<248xi32, #tpu.memory_space<vmem>>) target_semaphore(%run_scoped3A : memref<!tpu.dma_semaphore, #tpu.memory_space<semaphore_mem>>)
      %dma_wait3A_67 = tpu.memref_slice %arg3[%mul3A_2] : memref<7936xi32, #tpu.memory_space<hbm>> -> memref<248xi32, #tpu.memory_space<hbm>>
      %dma_wait3A_68 = tpu.memref_slice %arg3[%mul3A_2] : memref<7936xi32, #tpu.memory_space<hbm>> -> memref<248xi32, #tpu.memory_space<hbm>>
      tpu.wait_dma2 semaphore(%run_scoped3A : memref<!tpu.dma_semaphore, #tpu.memory_space<semaphore_mem>>) src(%dma_wait3A_68 : memref<248xi32, #tpu.memory_space<hbm>>) dst(%arg8 : memref<248xi32, #tpu.memory_space<vmem>>)
      tpu.yield
    }) : () -> ()
    %dma_start3A = arith.constant 0 : i32
    %dma_start3A_3 = arith.constant 0 : i32
    %dma_start3A_4 = tpu.memref_slice %arg9[%dma_start3A, %dma_start3A_3] : memref<248x128xf32, #tpu.memory_space<vmem>> -> memref<128x128xf32, #tpu.memory_space<vmem>>
    %dma_start3A_5 = arith.constant 0 : i32
    %dma_start3A_6 = tpu.memref_slice %arg7[%dma_start3A_5] : memref<248xi32, #tpu.memory_space<vmem>> -> memref<128xi32, #tpu.memory_space<vmem>>
    %dma_start3A_7 = arith.constant 0 : i32
    %dma_start3A_8 = arith.constant 0 : i32
    %dma_start3A_9 = tpu.memref_slice %arg4[%dma_start3A_7, %dma_start3A_8] : memref<2048x128xf32, #tpu.memory_space<hbm>> -> memref<2048x128xf32, #tpu.memory_space<hbm>>
    tpu.enqueue_indirect_dma source(%dma_start3A_9 : memref<2048x128xf32, #tpu.memory_space<hbm>>) target(%dma_start3A_4 : memref<128x128xf32, #tpu.memory_space<vmem>>) offsets(%dma_start3A_6 : memref<128xi32, #tpu.memory_space<vmem>>) semaphore(%arg11 : memref<!tpu.dma_semaphore, #tpu.memory_space<semaphore_mem>>)
    %dma_wait3A = arith.constant 0 : i32
    %dma_wait3A_10 = arith.constant 0 : i32
    %dma_wait3A_11 = tpu.memref_slice %arg9[%dma_wait3A, %dma_wait3A_10] : memref<248x128xf32, #tpu.memory_space<vmem>> -> memref<128x128xf32, #tpu.memory_space<vmem>>
    %dma_wait3A_12 = arith.constant 0 : i32
    %dma_wait3A_13 = tpu.memref_slice %arg7[%dma_wait3A_12] : memref<248xi32, #tpu.memory_space<vmem>> -> memref<128xi32, #tpu.memory_space<vmem>>
    %dma_wait3A_14 = arith.constant 0 : i32
    %dma_wait3A_15 = arith.constant 0 : i32
    %dma_wait3A_16 = tpu.memref_slice %arg4[%dma_wait3A_14, %dma_wait3A_15] : memref<2048x128xf32, #tpu.memory_space<hbm>> -> memref<2048x128xf32, #tpu.memory_space<hbm>>
    tpu.wait_indirect_dma semaphore(%arg11 : memref<!tpu.dma_semaphore, #tpu.memory_space<semaphore_mem>>) src(%dma_wait3A_16 : memref<2048x128xf32, #tpu.memory_space<hbm>>) dst(%dma_wait3A_11 : memref<128x128xf32, #tpu.memory_space<vmem>>)
    %dma_start3A_17 = arith.constant 0 : i32
    %dma_start3A_18 = arith.constant 0 : i32
    %dma_start3A_19 = tpu.memref_slice %arg10[%dma_start3A_17, %dma_start3A_18] : memref<248x128xf32, #tpu.memory_space<vmem>> -> memref<128x128xf32, #tpu.memory_space<vmem>>
    %dma_start3A_20 = arith.constant 0 : i32
    %dma_start3A_21 = tpu.memref_slice %arg8[%dma_start3A_20] : memref<248xi32, #tpu.memory_space<vmem>> -> memref<128xi32, #tpu.memory_space<vmem>>
    %dma_start3A_22 = arith.constant 0 : i32
    %dma_start3A_23 = arith.constant 0 : i32
    %dma_start3A_24 = tpu.memref_slice %arg4[%dma_start3A_22, %dma_start3A_23] : memref<2048x128xf32, #tpu.memory_space<hbm>> -> memref<2048x128xf32, #tpu.memory_space<hbm>>
    tpu.enqueue_indirect_dma source(%dma_start3A_24 : memref<2048x128xf32, #tpu.memory_space<hbm>>) target(%dma_start3A_19 : memref<128x128xf32, #tpu.memory_space<vmem>>) offsets(%dma_start3A_21 : memref<128xi32, #tpu.memory_space<vmem>>) semaphore(%arg11 : memref<!tpu.dma_semaphore, #tpu.memory_space<semaphore_mem>>)
    %dma_wait3A_25 = arith.constant 0 : i32
    %dma_wait3A_26 = arith.constant 0 : i32
    %dma_wait3A_27 = tpu.memref_slice %arg10[%dma_wait3A_25, %dma_wait3A_26] : memref<248x128xf32, #tpu.memory_space<vmem>> -> memref<128x128xf32, #tpu.memory_space<vmem>>
    %dma_wait3A_28 = arith.constant 0 : i32
    %dma_wait3A_29 = tpu.memref_slice %arg8[%dma_wait3A_28] : memref<248xi32, #tpu.memory_space<vmem>> -> memref<128xi32, #tpu.memory_space<vmem>>
    %dma_wait3A_30 = arith.constant 0 : i32
    %dma_wait3A_31 = arith.constant 0 : i32
    %dma_wait3A_32 = tpu.memref_slice %arg4[%dma_wait3A_30, %dma_wait3A_31] : memref<2048x128xf32, #tpu.memory_space<hbm>> -> memref<2048x128xf32, #tpu.memory_space<hbm>>
    tpu.wait_indirect_dma semaphore(%arg11 : memref<!tpu.dma_semaphore, #tpu.memory_space<semaphore_mem>>) src(%dma_wait3A_32 : memref<2048x128xf32, #tpu.memory_space<hbm>>) dst(%dma_wait3A_27 : memref<128x128xf32, #tpu.memory_space<vmem>>)
    %dma_start3A_33 = arith.constant 128 : i32
    %dma_start3A_34 = arith.constant 0 : i32
    %dma_start3A_35 = tpu.memref_slice %arg9[%dma_start3A_33, %dma_start3A_34] : memref<248x128xf32, #tpu.memory_space<vmem>> -> memref<120x128xf32, #tpu.memory_space<vmem>>
    %dma_start3A_36 = arith.constant 128 : i32
    %dma_start3A_37 = tpu.memref_slice %arg7[%dma_start3A_36] : memref<248xi32, #tpu.memory_space<vmem>> -> memref<120xi32, #tpu.memory_space<vmem>>
    %dma_start3A_38 = arith.constant 0 : i32
    %dma_start3A_39 = arith.constant 0 : i32
    %dma_start3A_40 = tpu.memref_slice %arg4[%dma_start3A_38, %dma_start3A_39] : memref<2048x128xf32, #tpu.memory_space<hbm>> -> memref<2048x128xf32, #tpu.memory_space<hbm>>
    tpu.enqueue_indirect_dma source(%dma_start3A_40 : memref<2048x128xf32, #tpu.memory_space<hbm>>) target(%dma_start3A_35 : memref<120x128xf32, #tpu.memory_space<vmem>>) offsets(%dma_start3A_37 : memref<120xi32, #tpu.memory_space<vmem>>) semaphore(%arg11 : memref<!tpu.dma_semaphore, #tpu.memory_space<semaphore_mem>>)
    %dma_wait3A_41 = arith.constant 128 : i32
    %dma_wait3A_42 = arith.constant 0 : i32
    %dma_wait3A_43 = tpu.memref_slice %arg9[%dma_wait3A_41, %dma_wait3A_42] : memref<248x128xf32, #tpu.memory_space<vmem>> -> memref<120x128xf32, #tpu.memory_space<vmem>>
    %dma_wait3A_44 = arith.constant 128 : i32
    %dma_wait3A_45 = tpu.memref_slice %arg7[%dma_wait3A_44] : memref<248xi32, #tpu.memory_space<vmem>> -> memref<120xi32, #tpu.memory_space<vmem>>
    %dma_wait3A_46 = arith.constant 0 : i32
    %dma_wait3A_47 = arith.constant 0 : i32
    %dma_wait3A_48 = tpu.memref_slice %arg4[%dma_wait3A_46, %dma_wait3A_47] : memref<2048x128xf32, #tpu.memory_space<hbm>> -> memref<2048x128xf32, #tpu.memory_space<hbm>>
    tpu.wait_indirect_dma semaphore(%arg11 : memref<!tpu.dma_semaphore, #tpu.memory_space<semaphore_mem>>) src(%dma_wait3A_48 : memref<2048x128xf32, #tpu.memory_space<hbm>>) dst(%dma_wait3A_43 : memref<120x128xf32, #tpu.memory_space<vmem>>)
    %dma_start3A_49 = arith.constant 128 : i32
    %dma_start3A_50 = arith.constant 0 : i32
    %dma_start3A_51 = tpu.memref_slice %arg10[%dma_start3A_49, %dma_start3A_50] : memref<248x128xf32, #tpu.memory_space<vmem>> -> memref<120x128xf32, #tpu.memory_space<vmem>>
    %dma_start3A_52 = arith.constant 128 : i32
    %dma_start3A_53 = tpu.memref_slice %arg8[%dma_start3A_52] : memref<248xi32, #tpu.memory_space<vmem>> -> memref<120xi32, #tpu.memory_space<vmem>>
    %dma_start3A_54 = arith.constant 0 : i32
    %dma_start3A_55 = arith.constant 0 : i32
    %dma_start3A_56 = tpu.memref_slice %arg4[%dma_start3A_54, %dma_start3A_55] : memref<2048x128xf32, #tpu.memory_space<hbm>> -> memref<2048x128xf32, #tpu.memory_space<hbm>>
    tpu.enqueue_indirect_dma source(%dma_start3A_56 : memref<2048x128xf32, #tpu.memory_space<hbm>>) target(%dma_start3A_51 : memref<120x128xf32, #tpu.memory_space<vmem>>) offsets(%dma_start3A_53 : memref<120xi32, #tpu.memory_space<vmem>>) semaphore(%arg11 : memref<!tpu.dma_semaphore, #tpu.memory_space<semaphore_mem>>)
    %dma_wait3A_57 = arith.constant 128 : i32
    %dma_wait3A_58 = arith.constant 0 : i32
    %dma_wait3A_59 = tpu.memref_slice %arg10[%dma_wait3A_57, %dma_wait3A_58] : memref<248x128xf32, #tpu.memory_space<vmem>> -> memref<120x128xf32, #tpu.memory_space<vmem>>
    %dma_wait3A_60 = arith.constant 128 : i32
    %dma_wait3A_61 = tpu.memref_slice %arg8[%dma_wait3A_60] : memref<248xi32, #tpu.memory_space<vmem>> -> memref<120xi32, #tpu.memory_space<vmem>>
    %dma_wait3A_62 = arith.constant 0 : i32
    %dma_wait3A_63 = arith.constant 0 : i32
    %dma_wait3A_64 = tpu.memref_slice %arg4[%dma_wait3A_62, %dma_wait3A_63] : memref<2048x128xf32, #tpu.memory_space<hbm>> -> memref<2048x128xf32, #tpu.memory_space<hbm>>
    tpu.wait_indirect_dma semaphore(%arg11 : memref<!tpu.dma_semaphore, #tpu.memory_space<semaphore_mem>>) src(%dma_wait3A_64 : memref<2048x128xf32, #tpu.memory_space<hbm>>) dst(%dma_wait3A_59 : memref<120x128xf32, #tpu.memory_space<vmem>>)
    "tpu.region"() ({
      %run_scoped3A = tpu.sem_alloc : memref<!tpu.dma_semaphore, #tpu.memory_space<semaphore_mem>>
      %dma_start3A_65 = arith.constant 0 : i32
      %dma_start3A_66 = tpu.memref_slice %arg5[%mul3A_2, %dma_start3A_65] : memref<7936x128xf32, #tpu.memory_space<hbm>> -> memref<248x128xf32, #tpu.memory_space<hbm>>
      %dma_start3A_67 = arith.constant 0 : i32
      %dma_start3A_68 = tpu.memref_slice %arg5[%mul3A_2, %dma_start3A_67] : memref<7936x128xf32, #tpu.memory_space<hbm>> -> memref<248x128xf32, #tpu.memory_space<hbm>>
      tpu.enqueue_dma source(%arg9 : memref<248x128xf32, #tpu.memory_space<vmem>>) target(%dma_start3A_68 : memref<248x128xf32, #tpu.memory_space<hbm>>) target_semaphore(%run_scoped3A : memref<!tpu.dma_semaphore, #tpu.memory_space<semaphore_mem>>)
      %dma_wait3A_69 = arith.constant 0 : i32
      %dma_wait3A_70 = tpu.memref_slice %arg5[%mul3A_2, %dma_wait3A_69] : memref<7936x128xf32, #tpu.memory_space<hbm>> -> memref<248x128xf32, #tpu.memory_space<hbm>>
      %dma_wait3A_71 = arith.constant 0 : i32
      %dma_wait3A_72 = tpu.memref_slice %arg5[%mul3A_2, %dma_wait3A_71] : memref<7936x128xf32, #tpu.memory_space<hbm>> -> memref<248x128xf32, #tpu.memory_space<hbm>>
      tpu.wait_dma2 semaphore(%run_scoped3A : memref<!tpu.dma_semaphore, #tpu.memory_space<semaphore_mem>>) src(%arg9 : memref<248x128xf32, #tpu.memory_space<vmem>>) dst(%dma_wait3A_72 : memref<248x128xf32, #tpu.memory_space<hbm>>)
      tpu.yield
    }) : () -> ()
    "tpu.region"() ({
      %run_scoped3A = tpu.sem_alloc : memref<!tpu.dma_semaphore, #tpu.memory_space<semaphore_mem>>
      %dma_start3A_65 = arith.constant 0 : i32
      %dma_start3A_66 = tpu.memref_slice %arg6[%mul3A_2, %dma_start3A_65] : memref<7936x128xf32, #tpu.memory_space<hbm>> -> memref<248x128xf32, #tpu.memory_space<hbm>>
      %dma_start3A_67 = arith.constant 0 : i32
      %dma_start3A_68 = tpu.memref_slice %arg6[%mul3A_2, %dma_start3A_67] : memref<7936x128xf32, #tpu.memory_space<hbm>> -> memref<248x128xf32, #tpu.memory_space<hbm>>
      tpu.enqueue_dma source(%arg10 : memref<248x128xf32, #tpu.memory_space<vmem>>) target(%dma_start3A_68 : memref<248x128xf32, #tpu.memory_space<hbm>>) target_semaphore(%run_scoped3A : memref<!tpu.dma_semaphore, #tpu.memory_space<semaphore_mem>>)
      %dma_wait3A_69 = arith.constant 0 : i32
      %dma_wait3A_70 = tpu.memref_slice %arg6[%mul3A_2, %dma_wait3A_69] : memref<7936x128xf32, #tpu.memory_space<hbm>> -> memref<248x128xf32, #tpu.memory_space<hbm>>
      %dma_wait3A_71 = arith.constant 0 : i32
      %dma_wait3A_72 = tpu.memref_slice %arg6[%mul3A_2, %dma_wait3A_71] : memref<7936x128xf32, #tpu.memory_space<hbm>> -> memref<248x128xf32, #tpu.memory_space<hbm>>
      tpu.wait_dma2 semaphore(%run_scoped3A : memref<!tpu.dma_semaphore, #tpu.memory_space<semaphore_mem>>) src(%arg10 : memref<248x128xf32, #tpu.memory_space<vmem>>) dst(%dma_wait3A_72 : memref<248x128xf32, #tpu.memory_space<hbm>>)
      tpu.yield
    }) : () -> ()
    return
  }
}

module attributes {stable_mosaic.version = 14 : i64} {
  func.func @_cross_body(%arg0: i32, %arg1: i32, %arg2: memref<1x64x128xf32, #tpu.memory_space<vmem>>, %arg3: memref<1x64x128xf32, #tpu.memory_space<vmem>>, %arg4: memref<64x64x258xf32, #tpu.memory_space<vmem>>) attributes {dimension_semantics = [#tpu.dimension_semantics<parallel>, #tpu.dimension_semantics<parallel>], iteration_bounds = array<i64: 2, 16>, scalar_prefetch = 0 : i64, scratch_operands = 0 : i64, tpu.core_type = #tpu.core_type<tc>, window_params = [{transform_indices = @transform_0, window_bounds = array<i64: 1, 64, 128>}, {transform_indices = @transform_1, window_bounds = array<i64: 1, 64, 128>}, {transform_indices = @transform_2, window_bounds = array<i64: 64, 64, 258>}]} {
    %mul3A = arith.constant 64 : i32
    %mul3A_0 = arith.muli %arg1, %mul3A : i32
    %iota3A = tpu.iota {dimensions = array<i32: 0>} : vector<64x64x1xi32>
    %add3A = vector.broadcast %mul3A_0 : i32 to vector<64x64x1xi32>
    %add3A_1 = arith.addi %iota3A, %add3A : vector<64x64x1xi32>
    %convert_element_type3A = arith.sitofp %add3A_1 : vector<64x64x1xi32> to vector<64x64x1xf32>
    %iota3A_2 = tpu.iota {dimensions = array<i32: 1>} : vector<64x64x1xi32>
    %convert_element_type3A_3 = arith.sitofp %iota3A_2 : vector<64x64x1xi32> to vector<64x64x1xf32>
    %get3A = arith.constant 0 : index
    %get3A_4 = arith.constant 0 : index
    %get3A_5 = arith.constant 0 : index
    %get3A_6 = vector.load %arg2[%get3A, %get3A_4, %get3A_5] : memref<1x64x128xf32, #tpu.memory_space<vmem>>, vector<1x64x128xf32>
    %get3A_7 = vector.shape_cast %get3A_6 : vector<1x64x128xf32> to vector<64x128xf32>
    %get3A_8 = arith.constant 0 : index
    %get3A_9 = arith.constant 0 : index
    %get3A_10 = arith.constant 0 : index
    %get3A_11 = vector.load %arg3[%get3A_8, %get3A_9, %get3A_10] : memref<1x64x128xf32, #tpu.memory_space<vmem>>, vector<1x64x128xf32>
    %get3A_12 = vector.shape_cast %get3A_11 : vector<1x64x128xf32> to vector<64x128xf32>
    %broadcast_in_dim3A = vector.shape_cast %get3A_7 : vector<64x128xf32> to vector<64x1x128xf32>
    %broadcast_in_dim3A_13 = vector.shape_cast %broadcast_in_dim3A : vector<64x1x128xf32> to vector<64x1x128xf32>
    %broadcast_in_dim3A_14 = vector.broadcast %broadcast_in_dim3A_13 : vector<64x1x128xf32> to vector<64x64x128xf32>
    %broadcast_in_dim3A_15 = vector.shape_cast %get3A_12 : vector<64x128xf32> to vector<1x64x128xf32>
    %broadcast_in_dim3A_16 = vector.shape_cast %broadcast_in_dim3A_15 : vector<1x64x128xf32> to vector<1x64x128xf32>
    %broadcast_in_dim3A_17 = vector.broadcast %broadcast_in_dim3A_16 : vector<1x64x128xf32> to vector<64x64x128xf32>
    %concatenate3A = tpu.concatenate %convert_element_type3A, %convert_element_type3A_3, %broadcast_in_dim3A_14, %broadcast_in_dim3A_17 in 2 : vector<64x64x1xf32>, vector<64x64x1xf32>, vector<64x64x128xf32>, vector<64x64x128xf32> -> vector<64x64x258xf32>
    %swap3A = arith.constant 0 : index
    %swap3A_18 = arith.constant 0 : index
    %swap3A_19 = arith.constant 0 : index
    %swap3A_20 = vector.load %arg4[%swap3A, %swap3A_18, %swap3A_19] : memref<64x64x258xf32, #tpu.memory_space<vmem>>, vector<64x64x258xf32>
    tpu.vector_store %arg4[%swap3A, %swap3A_18, %swap3A_19], %concatenate3A {strides = array<i32>} : memref<64x64x258xf32, #tpu.memory_space<vmem>>, vector<64x64x258xf32>,
    return
  }
  func.func @transform_0(%arg0: i32, %arg1: i32) -> (i32, i32, i32) {
    %c0_i32 = arith.constant 0 : i32
    %c0_i32_0 = arith.constant 0 : i32
    return %arg0, %arg1, %c0_i32 : i32, i32, i32
  }
  func.func @transform_1(%arg0: i32, %arg1: i32) -> (i32, i32, i32) {
    %c0_i32 = arith.constant 0 : i32
    %c0_i32_0 = arith.constant 0 : i32
    %c0_i32_1 = arith.constant 0 : i32
    return %arg0, %c0_i32, %c0_i32_0 : i32, i32, i32
  }
  func.func @transform_2(%arg0: i32, %arg1: i32) -> (i32, i32, i32) {
    %mul3A = arith.constant 16 : i32
    %mul3A_0 = arith.muli %arg0, %mul3A : i32
    %add3A = arith.addi %mul3A_0, %arg1 : i32
    %c0_i32 = arith.constant 0 : i32
    %c0_i32_1 = arith.constant 0 : i32
    %c0_i32_2 = arith.constant 0 : i32
    return %add3A, %c0_i32, %c0_i32_1 : i32, i32, i32
  }
}

module attributes {stable_mosaic.version = 14 : i64} {
  func.func @_asm_body(%arg0: i32, %arg1: memref<496x128xf32, #tpu.memory_space<vmem>>, %arg2: memref<496x128xf32, #tpu.memory_space<vmem>>, %arg3: memref<496x256xf32, #tpu.memory_space<vmem>>) attributes {dimension_semantics = [#tpu.dimension_semantics<parallel>], iteration_bounds = array<i64: 16>, scalar_prefetch = 0 : i64, scratch_operands = 0 : i64, tpu.core_type = #tpu.core_type<tc>, window_params = [{transform_indices = @transform_0, window_bounds = array<i64: 496, 128>}, {transform_indices = @transform_1, window_bounds = array<i64: 496, 128>}, {transform_indices = @transform_2, window_bounds = array<i64: 496, 256>}]} {
    %get3A = arith.constant 0 : index
    %get3A_0 = arith.constant 0 : index
    %get3A_1 = vector.load %arg1[%get3A, %get3A_0] : memref<496x128xf32, #tpu.memory_space<vmem>>, vector<496x128xf32>
    %get3A_2 = arith.constant 0 : index
    %get3A_3 = arith.constant 0 : index
    %get3A_4 = vector.load %arg2[%get3A_2, %get3A_3] : memref<496x128xf32, #tpu.memory_space<vmem>>, vector<496x128xf32>
    %concatenate3A = tpu.concatenate %get3A_1, %get3A_4 in 1 : vector<496x128xf32>, vector<496x128xf32> -> vector<496x256xf32>
    %swap3A = arith.constant 0 : index
    %swap3A_5 = arith.constant 0 : index
    %swap3A_6 = vector.load %arg3[%swap3A, %swap3A_5] : memref<496x256xf32, #tpu.memory_space<vmem>>, vector<496x256xf32>
    tpu.vector_store %arg3[%swap3A, %swap3A_5], %concatenate3A {strides = array<i32>} : memref<496x256xf32, #tpu.memory_space<vmem>>, vector<496x256xf32>,
    return
  }
  func.func @transform_0(%arg0: i32) -> (i32, i32) {
    %c0_i32 = arith.constant 0 : i32
    %c0_i32_0 = arith.constant 0 : i32
    return %arg0, %c0_i32 : i32, i32
  }
  func.func @transform_1(%arg0: i32) -> (i32, i32) {
    %c0_i32 = arith.constant 0 : i32
    %c0_i32_0 = arith.constant 0 : i32
    return %arg0, %c0_i32 : i32, i32
  }
  func.func @transform_2(%arg0: i32) -> (i32, i32) {
    %c0_i32 = arith.constant 0 : i32
    %c0_i32_0 = arith.constant 0 : i32
    return %arg0, %c0_i32 : i32, i32
  }
}

module attributes {stable_mosaic.version = 14 : i64} {
  func.func @_ealab_body(%arg0: i32, %arg1: memref<1x64x128xf32, #tpu.memory_space<vmem>>, %arg2: memref<4096x256xf32, #tpu.memory_space<vmem>>) attributes {dimension_semantics = [#tpu.dimension_semantics<parallel>], iteration_bounds = array<i64: 2>, scalar_prefetch = 0 : i64, scratch_operands = 0 : i64, tpu.core_type = #tpu.core_type<tc>, window_params = [{transform_indices = @transform_0, window_bounds = array<i64: 1, 64, 128>}, {transform_indices = @transform_1, window_bounds = array<i64: 4096, 256>}]} {
    %get3A = arith.constant 0 : index
    %get3A_0 = arith.constant 0 : index
    %get3A_1 = arith.constant 0 : index
    %get3A_2 = vector.load %arg1[%get3A, %get3A_0, %get3A_1] : memref<1x64x128xf32, #tpu.memory_space<vmem>>, vector<1x64x128xf32>
    %get3A_3 = vector.shape_cast %get3A_2 : vector<1x64x128xf32> to vector<64x128xf32>
    %broadcast_in_dim3A = vector.shape_cast %get3A_3 : vector<64x128xf32> to vector<64x1x128xf32>
    %broadcast_in_dim3A_4 = vector.shape_cast %broadcast_in_dim3A : vector<64x1x128xf32> to vector<64x1x128xf32>
    %broadcast_in_dim3A_5 = vector.broadcast %broadcast_in_dim3A_4 : vector<64x1x128xf32> to vector<64x64x128xf32>
    %reshape3A = vector.shape_cast %broadcast_in_dim3A_5 : vector<64x64x128xf32> to vector<4096x128xf32>
    %broadcast_in_dim3A_6 = vector.shape_cast %get3A_3 : vector<64x128xf32> to vector<1x64x128xf32>
    %broadcast_in_dim3A_7 = vector.shape_cast %broadcast_in_dim3A_6 : vector<1x64x128xf32> to vector<1x64x128xf32>
    %broadcast_in_dim3A_8 = vector.broadcast %broadcast_in_dim3A_7 : vector<1x64x128xf32> to vector<64x64x128xf32>
    %reshape3A_9 = vector.shape_cast %broadcast_in_dim3A_8 : vector<64x64x128xf32> to vector<4096x128xf32>
    %concatenate3A = tpu.concatenate %reshape3A, %reshape3A_9 in 1 : vector<4096x128xf32>, vector<4096x128xf32> -> vector<4096x256xf32>
    %swap3A = arith.constant 0 : index
    %swap3A_10 = arith.constant 0 : index
    %swap3A_11 = vector.load %arg2[%swap3A, %swap3A_10] : memref<4096x256xf32, #tpu.memory_space<vmem>>, vector<4096x256xf32>
    tpu.vector_store %arg2[%swap3A, %swap3A_10], %concatenate3A {strides = array<i32>} : memref<4096x256xf32, #tpu.memory_space<vmem>>, vector<4096x256xf32>,
    return
  }
  func.func @transform_0(%arg0: i32) -> (i32, i32, i32) {
    %c0_i32 = arith.constant 0 : i32
    %c0_i32_0 = arith.constant 0 : i32
    %c0_i32_1 = arith.constant 0 : i32
    return %arg0, %c0_i32, %c0_i32_0 : i32, i32, i32
  }
  func.func @transform_1(%arg0: i32) -> (i32, i32) {
    %c0_i32 = arith.constant 0 : i32
    %c0_i32_0 = arith.constant 0 : i32
    return %arg0, %c0_i32 : i32, i32
  }
}

</mosaic_0001>

<sc_bundles>
// kernel: kernel.6.cloned.1.call-start
scs
__scs_entry_jumppad:
0x0: {  	(pc) =	sbr.rel $0x88, $3  }
0x1: {  	(tag) =	ssettag $0x0;
	lr =	simm.s32 $0x1  }
0x2: {  	[smem:$0x3F9F] =	sst lr;
	_ =	strace $0xD0000000  }
0x3: {  	_ = 	snop  }
0x4: {  	_ = 	snop  }
0x5: {  	_ = 	snop  }
0x6: {  	_ = 	snop  }
0x7: {  	_ = 	snop  }
__scs_overlays_trampoline_lowered:
0x8: {  	[smem:$0x3FAE] =	sst s0  }
0x9: {  	[smem:$0x3FAF] =	sst s1  }
0xa: {  	[smem:$0x3FB0] =	sst s2  }
0xb: {  	[smem:$0x3FB1] =	sst s3  }
0xc: {  	[smem:$0x3FB2] =	sst s4  }
0xd: {  	[smem:$0x3FB3] =	sst s5  }
0xe: {  	[smem:$0x3FB4] =	sst s6  }
0xf: {  	[smem:$0x3FB5] =	sst s7  }
0x10: {  	[smem:$0x3FB6] =	sst s8  }
0x11: {  	[smem:$0x3FB7] =	sst s9;
	s0 =	simm.s32 @!p0 $0x0  }
0x12: {  	s1 =	sld [smem:$0x3F9D];
	s0 =	simm.s32 @p0 $0x1  }
0x13: {  	[smem:$0x3FB8] =	sst s0;
	s0 =	simm.s32 @!p1 $0x0  }
0x14: {  	s2 =	sld [smem:$0x3F9C];
	s0 =	simm.s32 @p1 $0x1  }
0x15: {  	[smem:$0x3FB9] =	sst s0;
	s0 =	simm.s32 @!p2 $0x0  }
0x16: {  	s3 =	sld [smem:$0x3FDB];
	s0 =	simm.s32 @p2 $0x1  }
0x17: {  	s4 =	simm.s32 $0x1BF5;
	[smem:$0x3FBB] =	sst s0  }
0x18: {  	s0 =	sld [smem:$0x3F9E];
	_ =	swait.ge [sflag:s4], $0x0  }
0x19: {  	s7 =	sld [smem:$0x3F9F]  }
0x1a: {  	s8 =	sadd.s32 $0xFFFFE003, lr  }
0x1b: {  	s9 =	sadd.s32 $0xFFFFFEF7, lr;
	s5 =	simm.s32 $0xFFFFFFFF;
	p2 =	slt.u32 s8, $0xFFFFF086  }
0x1c: {  	p1 =	slt.u32 s9, $0xF7A;
	s5 =	simm.s32 @!p2 $0x0  }
0x1d: {  	s5 =	simm.s32 @p1 $0x1;
	p0 =	seq.s32 s7, s2  }
0x1e: {  	s7 =	smul.u32 @!p0 $0xF7A, s2;
	p2 =	seq.s32 @!p0 s5, $0x0  }
0x1f: {  	s9 =	smul.u32 $0xF7A, s1;
	s8 =	simm.s32 @!p0 $0x1BF5;
	p2 =	por !p2, p0  }
0x20: {  	[sflag:s8] =	ssyncset.s32 @!p0 $0xFFFFF086;
	s6 =	sadd.s32 @!p0 s3, s7;
	s7 =	simm.s32 @!p0 $0x108  }
0x21: {  	s3 =	sadd.s32 s3, s9;
	s6 =	sadd.s32 @!p0 $0x88, s6;
	s7 =	simm.s32 @p2 $0x1082  }
0x22: {  	[simem:s7], [sflag:s8] =	dma.local @!p0 [hbm:s6], $0xF7A  }
0x23: {  	s9 =	sor.u32 $0xD0000000, s2;
	s6 =	simm.s32 $0x108;
	_ =	swait.ge @!p0 [sflag:s8], $0x0  }
0x24: {  	s3 =	sadd.s32 $0x88, s3;
	s6 =	simm.s32 @!p1 $0x1082;
	[sflag:s4] =	ssyncset.s32 $0xFFFFF086  }
0x25: {  	[simem:s6], [sflag:s4] =	dma.local [hbm:s3], $0xF7A  }
0x26: {  	[smem:$0x3F9F] =	sst s1;
	(tag) =	ssettag s2;
	_ =	strace s9  }
0x27: {  	s1 =	sld [smem:$0x3FAF]  }
0x28: {  	s2 =	sld [smem:$0x3FB0]  }
0x29: {  	s4 =	sld [smem:$0x3FB2]  }
0x2a: {  	p0 =	seq.s32 s5, $0x0;
	s5 =	sld [smem:$0x3FB3]  }
0x2b: {  	s6 =	sld [smem:$0x3FB4]  }
0x2c: {  	s7 =	sld [smem:$0x3FB5]  }
0x2d: {  	s3 =	simm.s32 $0x108;
	s8 =	sld [smem:$0x3FB6]  }
0x2e: {  	s3 =	simm.s32 @!p0 $0x1082;
	s9 =	sld [smem:$0x3FB7]  }
0x2f: {  	lr =	sadd.s32 s0, s3;
	s0 =	sld [smem:$0x3FAE]  }
0x30: {  	s3 =	sld [smem:$0x3FB1]  }
0x31: {  	[smem:$0x3FBA] =	sst s10  }
0x32: {  	s10 =	sld [smem:$0x3FB8];
	_ =	sdelay $0x3  }
0x33: {  	p0 =	seq.s32 s10, $0x1;
	s10 =	sld [smem:$0x3FBA];
	_ =	sdelay $0x3  }
0x34: {  	[smem:$0x3FBA] =	sst s10  }
0x35: {  	s10 =	sld [smem:$0x3FB9];
	_ =	sdelay $0x3  }
0x36: {  	p1 =	seq.s32 s10, $0x1;
	s10 =	sld [smem:$0x3FBA];
	_ =	sdelay $0x3  }
0x37: {  	[smem:$0x3FBA] =	sst s10  }
0x38: {  	s10 =	sld [smem:$0x3FBB]  }
0x39: {  	_ = 	snop;
	(pc) =	sbr.ind lr, $3  }
0x3a: {  	_ = 	snop  }
0x3b: {  	_ = 	snop  }
0x3c: {  	p2 =	seq.s32 s10, $0x1;
	s10 =	sld [smem:$0x3FBA]  }
0x3d: {  	_ =	shalt  }
0x3e: {  	_ =	shalt  }
0x3f: {  	_ =	shalt  }
0x40: {  	_ =	shalt  }
0x41: {  	_ =	shalt  }
0x42: {  	_ =	shalt  }
0x43: {  	_ =	shalt  }
0x44: {  	_ =	shalt  }
0x45: {  	_ =	shalt  }
0x46: {  	_ =	shalt  }
0x47: {  	_ =	shalt  }
0x48: {  	_ =	shalt  }
0x49: {  	_ =	shalt  }
0x4a: {  	_ =	shalt  }
0x4b: {  	_ =	shalt  }
0x4c: {  	_ =	shalt  }
0x4d: {  	_ =	shalt  }
0x4e: {  	_ =	shalt  }
0x4f: {  	_ =	shalt  }
0x50: {  	_ =	shalt  }
0x51: {  	_ =	shalt  }
0x52: {  	_ =	shalt  }
0x53: {  	_ =	shalt  }
0x54: {  	_ =	shalt  }
0x55: {  	_ =	shalt  }
0x56: {  	_ =	shalt  }
0x57: {  	_ =	shalt  }
0x58: {  	_ =	shalt  }
0x59: {  	_ =	shalt  }
0x5a: {  	_ =	shalt  }
0x5b: {  	_ =	shalt  }
0x5c: {  	_ =	shalt  }
0x5d: {  	_ =	shalt  }
0x5e: {  	_ =	shalt  }
0x5f: {  	_ =	shalt  }
0x60: {  	_ =	shalt  }
0x61: {  	_ =	shalt  }
0x62: {  	_ =	shalt  }
0x63: {  	_ =	shalt  }
0x64: {  	_ =	shalt  }
0x65: {  	_ =	shalt  }
0x66: {  	_ =	shalt  }
0x67: {  	_ =	shalt  }
0x68: {  	_ =	shalt  }
0x69: {  	_ =	shalt  }
0x6a: {  	_ =	shalt  }
0x6b: {  	_ =	shalt  }
0x6c: {  	_ =	shalt  }
0x6d: {  	_ =	shalt  }
0x6e: {  	_ =	shalt  }
0x6f: {  	_ =	shalt  }
0x70: {  	_ =	shalt  }
0x71: {  	_ =	shalt  }
0x72: {  	_ =	shalt  }
0x73: {  	_ =	shalt  }
0x74: {  	_ =	shalt  }
0x75: {  	_ =	shalt  }
0x76: {  	_ =	shalt  }
0x77: {  	_ =	shalt  }
0x78: {  	_ =	shalt  }
0x79: {  	_ =	shalt  }
0x7a: {  	_ =	shalt  }
0x7b: {  	_ =	shalt  }
0x7c: {  	_ =	shalt  }
0x7d: {  	_ =	shalt  }
0x7e: {  	_ =	shalt  }
0x7f: {  	_ =	shalt  }
0x80: {  	_ =	shalt  }
0x81: {  	_ =	shalt  }
0x82: {  	_ =	shalt  }
0x83: {  	_ =	shalt  }
0x84: {  	_ =	shalt  }
0x85: {  	_ =	shalt  }
0x86: {  	_ =	shalt  }
0x87: {  	_ =	shalt  }
.Lfunc_end0:
.L_simem_size_0:
called_computation.1_lowered:
.L_overlay_start_0:
0x88: {  	s2 =	sld [smem:$0x3FD9]  }
0x89: {  	s3 =	sld [smem:$0x3FFE];
	_ =	sdelay $0x1  }
0x8a: {  	s1 =	srdreg.scid  }
0x8b: {  	s0 =	sand.u32 $0x1, s1  }
0x8c: {  	s14 =	sshll.u32 s0, $0xA;
	s2 =	sadd.s32 s3, s2  }
0x8d: {  	s2 =	sadd.s32 s2, s14  }
0x8e: {  	[smem:$0x3FC6] =	sst s2  }
0x8f: {  	_ = 	snop  }
0x90: {  	s2 =	sld [smem:$0x3FD0];
	_ =	sdelay $0x2  }
0x91: {  	s4 =	simm.s32 $0xB;
	s5 =	simm.s32 $0x10;
	s15 =	sld [smem:$0x3FC9]  }
0x92: {  	[smem:s5], [sflag:s4] =	dma.local [hbm:s2], $0x1  }
0x93: {  	_ =	swait.eq [sflag:s4], $0x1  }
0x94: {  	s16 =	sld [smem:$0x11];
	[sflag:s4] =	ssyncset.done $0x0  }
0x95: {  	s17 =	sld [smem:$0x12];
	[sflag:s4] =	ssyncadd.s32 $0xFFFFFFFF  }
0x96: {  	s18 =	sld [smem:$0x14];
	(tm) =	ssettm $0x1  }
0x97: {  	s6 =	sld [smem:$0x3FFB];
	_ =	sdelay $0x3  }
0x98: {  	_ =	strace s6  }
0x99: {  	s6 =	sld [smem:$0x3FFC];
	_ =	sdelay $0x3  }
0x9a: {  	_ =	strace s6  }
0x9b: {  	s6 =	sld [smem:$0x3FFD];
	_ =	sdelay $0x3  }
0x9c: {  	_ =	strace s6  }
0x9d: {  	_ =	strace $0x8FFFFFFF  }
0x9e: {  	s19 =	sld [smem:$0x3FDB];
	_ =	sdelay $0x1  }
0x9f: {  	s7 =	simm.s32 $_scs_section_size  }
0xa0: {  	s8 =	simm.s32 $_size__tile_overlayer_lowered;
	s9 =	simm.s32 $_tile_overlayer_lowered  }
0xa1: {  	s22 =	simm.s32 $0x1BFF;
	s21 =	sshll.u32 s9, $0x1;
	s6 =	sadd.s32 s7, s19  }
0xa2: {  	s10 =	simm.s32 $0x0;
	s20 =	sshll.u32 s8, $0x1;
	s8 =	sadd.s32 s21, s6  }
0xa3: {  	[timem:s10], [sflag:s22] =	dma.local [hbm:s8], s20  }
0xa4: {  	_ =	swait.ge [sflag:s22], s20  }
0xa5: {  	s7 =	ssub.s32 $0x0, s20;
	[sflag:s22] =	ssyncset.done $0x0  }
0xa6: {  	[sflag:s22] =	ssyncadd.s32 s7;
	_ =	sdelay $0x1  }
0xa7: {  	s23 =	simm.s32 $0x1B8B  }
0xa8: {  	_ =	swait.ge [sflag:s23], $0x1  }
0xa9: {  	[sflag:s23] =	ssyncset.done $0x0  }
0xaa: {  	s25 =	simm.s32 $0x1B8E;
	s24 =	sld [smem:$0x3FFE];
	[sflag:s23] =	ssyncadd.s32 $0xFFFFFFFF  }
0xab: {  	s26 =	simm.s32 $execute0_lowered;
	[smem:$0x3FD2] =	sst s25  }
0xac: {  	s8 =	sshll.u32 s26, $0x1;
	_ =	strace $0x80000046;
	[dreg:$0x1] =	wrdreg $0xFFFFFFFF  }
0xad: {  	s28 =	simm.s32 $_size_execute0_lowered;
	s6 =	sadd.s32 s6, s8;
	[dreg:$0x0] =	wrdreg $0x0  }
0xae: {  	s8 =	sshll.u32 s28, $0x1;
	[dreg:$0x2] =	wrdreg s6  }
0xaf: {  	[dreg:$0x3] =	wrdreg s8  }
0xb0: {  	[dreg:$0x4] =	wrdreg $0xC0  }
0xb1: {  	_ =	task [dreg:s10], $0x5FFFF  }
0xb2: {  	[dreg:$0x1] =	wrdreg $0xFFFFFFFF  }
0xb3: {  	[dreg:$0x0] =	wrdreg $0x60  }
0xb4: {  	[dreg:$0x2] =	wrdreg s16  }
0xb5: {  	[dreg:$0x3] =	wrdreg s18  }
0xb6: {  	[dreg:$0x4] =	wrdreg s15  }
0xb7: {  	[dreg:$0x5] =	wrdreg s17  }
0xb8: {  	[dreg:$0x6] =	wrdreg s24  }
0xb9: {  	[dreg:$0x7] =	wrdreg $0xA  }
0xba: {  	_ =	task.clear_ibuf [dreg:s10], $0x8FFFF;
	_ =	strace $0x90000046  }
0xbb: {  	s29 =	simm.s32 $0xA;
	_ =	strace $0x80000048  }
0xbc: {  	_ =	swait.ge [sflag:s29], $0x1  }
0xbd: {  	[sflag:s29] =	ssyncadd.s32 $0xFFFFFFFF  }
0xbe: {  	_ =	strace $0x90000048  }
0xbf: {  	_ =	sfence  }
0xc0: {  	s30 =	sld [smem:$0x0];
	_ =	sdelay $0x2  }
0xc1: {  	s31 =	sshll.u32 s1, $0xD;
	s1 =	sshrl.u32 s1, $0x2  }
0xc2: {  	s3 =	sand.u32 $0x4000, s31;
	s1 =	sadd.s32 s1, s30  }
0xc3: {  	s0 =	sor.u32 s3, s0;
	s1 =	sshll.u32 s1, $0x11  }
0xc4: {  	s0 =	sor.u32 s1, s0  }
0xc5: {  	s0 =	sadd.s32 $0x8F2B, s0  }
0xc6: {  	[sflag:s0] =	ssyncadd.remote.s32 $0x1  }
0xc7: {  	_ =	sfence.sel $0xFFFF  }
0xc8: {  	[dreg:$0x0] =	wrdreg $0xFFFFFFFF;
	(pc) =	sbr.abs _section_cstart, $3  }
0xc9: {  	[dreg:$0x1] =	wrdreg $0xFFFFFFFF  }
0xca: {  	_ =	task.clear_ibuf [dreg:s10], $0x2FFFF;
	_ =	strace $0x9FFFFFFF  }
0xcb: {  	(tm) =	ssettm $0x7FFFFFFF  }
tec
execute0_lowered:
.L_overlay_start_1:
0x0: {  	(tag) =	ssettag $0x1  }
0x1: {  	s4 =	rddreg [dreg:$0x0]  }
0x2: {  	s6 =	rddreg [dreg:$0x1]  }
0x3: {  	s1 =	rddreg [dreg:$0x2]  }
0x4: {  	s2 =	srdreg.scid;
	s0 =	stileid.u32  }
0x5: {  	s16 =	rddreg [dreg:$0x3];
	s17 =	sand.u32 $0x1, s2;
	s29 =	sshll.u32 s0, $0x1  }
0x6: {  	s18 =	rddreg [dreg:$0x4];
	s19 =	sor.u32 s17, s29  }
0x7: {  	s3 =	simm.s32 $0x0;
	s2 =	rddreg [dreg:$0x5];
	s7 =	smul.u32 $0x1F, s19  }
0x8: {  	[smem:$0x7FF] =	sst s3  }
0x9: {  	_ =	strace $0x80000047;
	s5 =	sadd.s32 s4, s7;
	s4 =	simm.s32 $0x2  }
0xa: {  	[tilespmem:s3], [sflag:$0x2] =	stream.linear.gather [hbm4b:s5+s3], $0xF8, $0x38;
	[tilespmem:$0xFA00] =	vst v63  }
0xb: {  	_ =	swait.ge [sflag:s4], $0xF8  }
0xc: {  	[sflag:s4] =	ssyncset.done $0x0  }
0xd: {  	s6 =	sadd.s32 s6, s7;
	s7 =	simm.s32 $0x100;
	[sflag:s4] =	ssyncadd.s32 $0xFFFFFF08  }
0xe: {  	[tilespmem:s7], [sflag:$0x2] =	stream.linear.gather [hbm4b:s6+s3], $0xF8, $0x38;
	[tilespmem:$0xFA00] =	vst v63  }
0xf: {  	_ =	swait.ge [sflag:s4], $0xF8  }
0x10: {  	s8 =	simm.s32 $0x80;
	[sflag:s4] =	ssyncset.done $0x0  }
0x11: {  	s9 =	simm.s32 $0x200;
	s10 =	simm.s32 $0x1;
	[sflag:s4] =	ssyncadd.s32 $0xFFFFFF08  }
0x12: {  	[tilespmem:s9], [sflag:$0x1] =	stream.indirect.gather [hbm4b:s1+s8], $0x80, s3, s8, $0xb8;
	[tilespmem:$0xFA00] =	vst v63  }
0x13: {  	_ =	swait.ge [sflag:s10], $0x4000  }
0x14: {  	[sflag:s10] =	ssyncset.done $0x0  }
0x15: {  	s11 =	simm.s32 $0x7E00;
	[sflag:s10] =	ssyncadd.s32 $0xFFFFC000  }
0x16: {  	[tilespmem:s11], [sflag:$0x1] =	stream.indirect.gather [hbm4b:s1+s8], $0x80, s7, s8, $0xb8;
	[tilespmem:$0xFA00] =	vst v63  }
0x17: {  	_ =	swait.ge [sflag:s10], $0x4000  }
0x18: {  	[sflag:s10] =	ssyncset.done $0x0  }
0x19: {  	s12 =	simm.s32 $0x78;
	s13 =	simm.s32 $0x4200;
	[sflag:s10] =	ssyncadd.s32 $0xFFFFC000  }
0x1a: {  	[tilespmem:s13], [sflag:$0x1] =	stream.indirect.gather [hbm4b:s1+s12], $0x80, s8, s12, $0xb8;
	[tilespmem:$0xFA00] =	vst v63  }
0x1b: {  	_ =	swait.ge [sflag:s10], $0x3C00  }
0x1c: {  	s14 =	simm.s32 $0x180;
	[sflag:s10] =	ssyncset.done $0x0  }
0x1d: {  	s15 =	simm.s32 $0xBE00;
	s17 =	ssub.s32 $0x2, s17;
	[sflag:s10] =	ssyncadd.s32 $0xFFFFC400  }
0x1e: {  	[tilespmem:s15], [sflag:$0x1] =	stream.indirect.gather [hbm4b:s1+s12], $0x80, s14, s12, $0xb8;
	[tilespmem:$0xFA00] =	vst v63  }
0x1f: {  	s19 =	smul.u32 $0xF80, s19;
	s20 =	sshrl.u32 s17, $0x1;
	_ =	swait.ge [sflag:s10], $0x3C00  }
0x20: {  	s30 =	ssub.s32 s17, s20;
	[sflag:s10] =	ssyncset.done $0x0  }
0x21: {  	s16 =	sadd.s32 s16, s19;
	s31 =	smax.u32 s30, $0x1;
	[sflag:s10] =	ssyncadd.s32 $0xFFFFC400  }
0x22: {  	[hbm4b:s16+s3] =	stream.linear.scatter [tilespmem:s9], [sflag:$0x2], $0x7C00, $0x38;
	[tilespmem:$0xFA00] =	vst v63  }
0x23: {  	p0 =	sne.s32 s31, $0x1;
	_ =	swait.ge [sflag:s4], $0x7C00  }
.Ltmp0:
0x24: {  	s18 =	sadd.s32 s19, s18;
	[sflag:s4] =	ssyncset.done $0x0;
	(pc) =	sbr.rel @!p0 .LBB2_2-.Ltmp0, $4  }
0x25: {  	s17 =	sadd.s32 $0x1C00, s18;
	[sflag:s4] =	ssyncadd.s32 $0xFFFF8400  }
0x26: {  	[hbm4b:s17+s3] =	stream.linear.scatter [tilespmem:s11], [sflag:$0x2], $0x7C00, $0x38;
	[tilespmem:$0xFA00] =	vst v63  }
0x27: {  	_ =	swait.ge [sflag:s4], $0x7C00  }
0x28: {  	s18 =	sadd.s32 $0xFFFFFFFF, s31;
	[sflag:s4] =	ssyncset.done $0x0  }
.LBB2_1:
0x29: {  	p0 =	sne.s32 s18, $0x1;
	s18 =	sadd.s32 $0xFFFFFFFF, s18;
	[sflag:s4] =	ssyncadd.s32 $0xFFFF8400  }
0x2a: {  	[tilespmem:s3], [sflag:$0x2] =	stream.linear.gather [hbm4b:s5+s3], $0xF8, $0x38;
	[tilespmem:$0xFA00] =	vst v63  }
0x2b: {  	_ =	swait.ge [sflag:s4], $0xF8  }
0x2c: {  	[sflag:s4] =	ssyncset.done $0x0  }
0x2d: {  	[sflag:s4] =	ssyncadd.s32 $0xFFFFFF08  }
0x2e: {  	[tilespmem:s7], [sflag:$0x2] =	stream.linear.gather [hbm4b:s6+s3], $0xF8, $0x38;
	[tilespmem:$0xFA00] =	vst v63  }
0x2f: {  	_ =	swait.ge [sflag:s4], $0xF8  }
0x30: {  	[sflag:s4] =	ssyncset.done $0x0  }
0x31: {  	[sflag:s4] =	ssyncadd.s32 $0xFFFFFF08  }
0x32: {  	[tilespmem:s9], [sflag:$0x1] =	stream.indirect.gather [hbm4b:s1+s8], $0x80, s3, s8, $0xb8;
	[tilespmem:$0xFA00] =	vst v63  }
0x33: {  	_ =	swait.ge [sflag:s10], $0x4000  }
0x34: {  	[sflag:s10] =	ssyncset.done $0x0  }
0x35: {  	[sflag:s10] =	ssyncadd.s32 $0xFFFFC000  }
0x36: {  	[tilespmem:s11], [sflag:$0x1] =	stream.indirect.gather [hbm4b:s1+s8], $0x80, s7, s8, $0xb8;
	[tilespmem:$0xFA00] =	vst v63  }
0x37: {  	_ =	swait.ge [sflag:s10], $0x4000  }
0x38: {  	[sflag:s10] =	ssyncset.done $0x0  }
0x39: {  	[sflag:s10] =	ssyncadd.s32 $0xFFFFC000  }
0x3a: {  	[tilespmem:s13], [sflag:$0x1] =	stream.indirect.gather [hbm4b:s1+s12], $0x80, s8, s12, $0xb8;
	[tilespmem:$0xFA00] =	vst v63  }
0x3b: {  	_ =	swait.ge [sflag:s10], $0x3C00  }
0x3c: {  	[sflag:s10] =	ssyncset.done $0x0  }
0x3d: {  	[sflag:s10] =	ssyncadd.s32 $0xFFFFC400  }
0x3e: {  	[tilespmem:s15], [sflag:$0x1] =	stream.indirect.gather [hbm4b:s1+s12], $0x80, s14, s12, $0xb8;
	[tilespmem:$0xFA00] =	vst v63  }
0x3f: {  	_ =	swait.ge [sflag:s10], $0x3C00  }
0x40: {  	[sflag:s10] =	ssyncset.done $0x0  }
0x41: {  	[sflag:s10] =	ssyncadd.s32 $0xFFFFC400  }
0x42: {  	[hbm4b:s16+s3] =	stream.linear.scatter [tilespmem:s9], [sflag:$0x2], $0x7C00, $0x38;
	[tilespmem:$0xFA00] =	vst v63  }
0x43: {  	_ =	swait.ge [sflag:s4], $0x7C00  }
.Ltmp1:
0x44: {  	[sflag:s4] =	ssyncset.done $0x0;
	(pc) =	sbr.rel @p0 .LBB2_1-.Ltmp1, $4  }
0x45: {  	[sflag:s4] =	ssyncadd.s32 $0xFFFF8400  }
0x46: {  	[hbm4b:s17+s3] =	stream.linear.scatter [tilespmem:s11], [sflag:$0x2], $0x7C00, $0x38;
	[tilespmem:$0xFA00] =	vst v63  }
0x47: {  	_ =	swait.ge [sflag:s4], $0x7C00  }
0x48: {  	[sflag:s4] =	ssyncset.done $0x0  }
.LBB2_2:
0x49: {  	[sflag:s4] =	ssyncadd.s32 $0xFFFF8400  }
0x4a: {  	_ =	sfence.sel $0x180000  }
0x4b: {  	[bflag:$0x0] =	sbarrier.arrive $0xFFFF  }
0x4c: {  	p0 =	sne.s32 s0, $0x0;
	_ =	strace $0x90000047  }
0x4d: {  	s0 =	sadd.s32 @!p0 $0x100000, s2;
	[bflag:$0x2] =	sbarrier.arrive $0xFFFF  }
0x4e: {  	[sflag:s0] =	ssyncadd.tile.s32 @!p0 $0x1;
	_ =	shalt  }
.Lfunc_end2:
_tile_overlayer_lowered:
.L_overlay_start_2:
0x4f: {  	(tag) =	ssettag $0x2  }
0x50: {  	s0 =	rddreg [dreg:$0x0];
	s2 =	stileid.u32  }
0x51: {  	s1 =	rddreg [dreg:$0x1];
	p0 =	sne.s32 s2, $0x0  }
0x52: {  	s3 =	rddreg [dreg:$0x2];
	[bflag:$0x3] =	sbarrier.arrive $0xFFFF;
	s2 =	simm.s32 @!p0 $0x1C02  }
0x53: {  	[timem:s3], [sflag:s2] =	dma.local @!p0 [hbm:s0], s1  }
0x54: {  	s0 =	simm.s32 @!p0 $0x2  }
0x55: {  	_ =	swait.ge @!p0 [sflag:s0], s1  }
0x56: {  	s1 =	ssub.s32 @!p0 $0x0, s1;
	[sflag:s0] =	ssyncset.done @!p0 $0x0  }
0x57: {  	[sflag:s0] =	ssyncadd.s32 @!p0 s1  }
0x58: {  	[bflag:$0x3] =	sbarrier.arrive $0xFFFF  }
0x59: {  	_ =	shalt  }

// kernel: sparse-core-data-format-call.cloned.1.call-start
scs
called_computation_lowered:
.L_overlay_start_0:
0x0: {  	s2 =	sld [smem:$0x3FD9]  }
0x1: {  	s3 =	sld [smem:$0x3FFE];
	_ =	sdelay $0x1  }
0x2: {  	s1 =	srdreg.scid  }
0x3: {  	s0 =	sand.u32 $0x1, s1  }
0x4: {  	s16 =	sshll.u32 s0, $0xA;
	s2 =	sadd.s32 s3, s2  }
0x5: {  	s2 =	sadd.s32 s2, s16  }
0x6: {  	[smem:$0x3FC6] =	sst s2  }
0x7: {  	_ = 	snop  }
0x8: {  	s2 =	sld [smem:$0x3FD0];
	_ =	sdelay $0x2  }
0x9: {  	s17 =	simm.s32 $0xB;
	s4 =	simm.s32 $0x10  }
0xa: {  	[smem:s4], [sflag:s17] =	dma.local [hbm:s2], $0x1  }
0xb: {  	_ =	swait.eq [sflag:s17], $0x1  }
0xc: {  	[sflag:s17] =	ssyncset.done $0x0  }
0xd: {  	[sflag:s17] =	ssyncadd.s32 $0xFFFFFFFF  }
0xe: {  	s18 =	sld [smem:$0x16];
	(tm) =	ssettm $0x1  }
0xf: {  	s19 =	sld [smem:$0x3FFB];
	_ =	sdelay $0x3  }
0x10: {  	_ =	strace s19  }
0x11: {  	s2 =	sld [smem:$0x3FFC];
	_ =	sdelay $0x3  }
0x12: {  	_ =	strace s2  }
0x13: {  	s2 =	sld [smem:$0x3FFD];
	_ =	sdelay $0x3  }
0x14: {  	_ =	strace s2  }
0x15: {  	_ =	strace $0x8FFFFFFF  }
0x16: {  	s20 =	sld [smem:$0x3FDB];
	_ =	sdelay $0x1  }
0x17: {  	s21 =	simm.s32 $_scs_section_size  }
0x18: {  	s5 =	simm.s32 $_size__tile_overlayer_lowered;
	s6 =	simm.s32 $_tile_overlayer_lowered  }
0x19: {  	s7 =	simm.s32 $0x1BFF;
	s22 =	sshll.u32 s6, $0x1;
	s4 =	sadd.s32 s21, s20  }
0x1a: {  	s23 =	simm.s32 $0x0;
	s5 =	sshll.u32 s5, $0x1;
	s6 =	sadd.s32 s22, s4  }
0x1b: {  	[timem:s23], [sflag:s7] =	dma.local [hbm:s6], s5  }
0x1c: {  	_ =	swait.ge [sflag:s7], s5  }
0x1d: {  	s5 =	ssub.s32 $0x0, s5;
	[sflag:s7] =	ssyncset.done $0x0  }
0x1e: {  	[sflag:s7] =	ssyncadd.s32 s5;
	_ =	sdelay $0x1  }
0x1f: {  	s24 =	simm.s32 $0x1B8B  }
0x20: {  	_ =	swait.ge [sflag:s24], $0x1  }
0x21: {  	[sflag:s24] =	ssyncset.done $0x0  }
0x22: {  	[sflag:s24] =	ssyncadd.s32 $0xFFFFFFFF  }
0x23: {  	s5 =	sld [smem:$0x0]  }
0x24: {  	s6 =	sand.u32 $0xFFFFFFFE, s1  }
0x25: {  	p0 =	sne.s32 s1, s6  }
0x26: {  	s6 =	sshll.u32 @p0 s6, $0xE  }
0x27: {  	s6 =	sadd.s32 @p0 $0x11B8D, s6;
	s7 =	sshll.u32 @p0 s5, $0x11  }
0x28: {  	s6 =	sor.u32 @p0 s7, s6  }
0x29: {  	[sflag:s6] =	ssyncadd.remote.s32 @p0 $0x1;
	_ =	sdelay $0x1  }
0x2a: {  	s6 =	simm.s32 @p0 $0x1B8D  }
0x2b: {  	_ =	swait.eq @p0 [sflag:s6], $0x1  }
0x2c: {  	[sflag:s6] =	ssyncadd.s32 @p0 $0xFFFFFFFF  }
0x2d: {  	s7 =	sshll.u32 @!p0 s1, $0xE  }
0x2e: {  	s7 =	sor.u32 @!p0 $0x4000, s7;
	s6 =	simm.s32 @!p0 $0x1B8D  }
0x2f: {  	s5 =	sshll.u32 @!p0 s5, $0x11;
	s7 =	sadd.s32 @!p0 $0x11B8D, s7;
	_ =	swait.eq @!p0 [sflag:s6], $0x1  }
0x30: {  	s5 =	sor.u32 @!p0 s5, s7;
	[sflag:s6] =	ssyncadd.s32 @!p0 $0xFFFFFFFF  }
0x31: {  	s26 =	simm.s32 $0x1B8E;
	s25 =	sld [smem:$0x3FFE];
	[sflag:s5] =	ssyncadd.remote.s32 @!p0 $0x1  }
0x32: {  	s27 =	simm.s32 $execute0_lowered;
	[smem:$0x3FD2] =	sst s26  }
0x33: {  	s6 =	sshll.u32 s27, $0x1;
	_ =	strace $0x80000049;
	[dreg:$0x1] =	wrdreg $0xFFFFFFFF  }
0x34: {  	s28 =	simm.s32 $_size_execute0_lowered;
	s4 =	sadd.s32 s4, s6;
	[dreg:$0x0] =	wrdreg $0x0  }
0x35: {  	s6 =	sshll.u32 s28, $0x1;
	[dreg:$0x2] =	wrdreg s4  }
0x36: {  	[dreg:$0x3] =	wrdreg s6  }
0x37: {  	[dreg:$0x4] =	wrdreg $0xC0  }
0x38: {  	_ =	task [dreg:s23], $0x5FFFF  }
0x39: {  	[dreg:$0x1] =	wrdreg $0xFFFFFFFF  }
0x3a: {  	[dreg:$0x0] =	wrdreg $0x60  }
0x3b: {  	[dreg:$0x2] =	wrdreg s25  }
0x3c: {  	[dreg:$0x3] =	wrdreg s18  }
0x3d: {  	[dreg:$0x4] =	wrdreg $0x9  }
0x3e: {  	_ =	task.clear_ibuf [dreg:s23], $0x5FFFF;
	_ =	strace $0x90000049  }
0x3f: {  	s29 =	simm.s32 $0x9;
	_ =	strace $0x8000004B  }
0x40: {  	_ =	swait.ge [sflag:s29], $0x1  }
0x41: {  	[sflag:s29] =	ssyncadd.s32 $0xFFFFFFFF  }
0x42: {  	_ =	strace $0x9000004B  }
0x43: {  	_ =	sfence  }
0x44: {  	s30 =	sld [smem:$0x0];
	_ =	sdelay $0x2  }
0x45: {  	s31 =	sshll.u32 s1, $0xD;
	s1 =	sshrl.u32 s1, $0x2  }
0x46: {  	s4 =	sand.u32 $0x4000, s31;
	s1 =	sadd.s32 s1, s30  }
0x47: {  	s0 =	sor.u32 s4, s0;
	s1 =	sshll.u32 s1, $0x11  }
0x48: {  	s0 =	sor.u32 s1, s0  }
0x49: {  	s0 =	sadd.s32 $0x8F2B, s0  }
0x4a: {  	[sflag:s0] =	ssyncadd.remote.s32 $0x1  }
0x4b: {  	_ =	sfence.sel $0xFFFF  }
0x4c: {  	[dreg:$0x0] =	wrdreg $0xFFFFFFFF;
	(pc) =	sbr.abs _section_cstart, $3  }
0x4d: {  	[dreg:$0x1] =	wrdreg $0xFFFFFFFF  }
0x4e: {  	_ =	task.clear_ibuf [dreg:s23], $0x2FFFF;
	_ =	strace $0x9FFFFFFF  }
0x4f: {  	(tm) =	ssettm $0x7FFFFFFF  }
tec
execute0_lowered:
.L_overlay_start_1:
0x0: {  	(tag) =	ssettag $0x1  }
0x1: {  	s0 =	srdreg.scid  }
0x2: {  	s1 =	sshll.u32 s0, $0x4  }
0x3: {  	s6 =	rddreg [dreg:$0x0];
	s0 =	stileid.u32;
	s1 =	sand.u32 $0x10, s1  }
0x4: {  	s3 =	rddreg [dreg:$0x1];
	s1 =	sor.u32 s0, s1  }
0x5: {  	s5 =	simm.s32 $0x1;
	s31 =	simm.s32 $0x2;
	s2 =	sshll.u32 s1, $0x7  }
0x6: {  	s15 =	simm.s32 $0x0;
	s8 =	simm.s32 $0x100000;
	s4 =	ssub.s32 $0x20000, s2  }
0x7: {  	s14 =	simm.s32 $0x0;
	s9 =	simm.s32 $0x0;
	s30 =	sand.u32 $0xF80, s4  }
0x8: {  	s10 =	simm.s32 $0x0;
	s11 =	simm.s32 $0x0;
	p0 =	sne.s32 s30, $0x0  }
.Ltmp0:
0x9: {  	s7 =	sshrl.u32 s4, $0xC;
	s5 =	simm.s32 @!p0 $0x0;
	(pc) =	sbr.rel .LBB1_1-.Ltmp0, $4  }
0xa: {  	s13 =	simm.s32 $0x0;
	s1 =	rddreg [dreg:$0x2];
	s5 =	sadd.s32 s5, s7  }
0xb: {  	_ =	strace $0x8000004A;
	s4 =	simm.s32 $0x1;
	s5 =	smul.u32 $0x3, s5  }
0xc: {  	s6 =	sadd.s32 $0x20C00, s6;
	s12 =	smov.u32 s2;
	[sflag:s4] =	ssyncpa.u1 $0x0  }
0xd: {  	[sflag:s31] =	ssyncpa.u1 $0x0;
	p0 =	por $0x0, $0x0;
	s7 =	sadd.s32 $0x1, s5  }
.LBB1_4:
0xe: {  	s21 =	sshll.u32 s9, $0x11;
	s22 =	sshll.u32 s10, $0x3;
	s20 =	sshra.s32 s20, $0x2  }
0xf: {  	s28 =	sand.u32 $0x78, s10;
	s29 =	sshll.u32 s9, $0x7;
	p1 =	sgt.s32 s9, $0x88  }
0x10: {  	s25 =	sshra.s32 s9, $0x1F;
	s31 =	sshra.s32 s10, $0x1F;
	s21 =	sand.u32 $0xFFF00000, s21  }
0x11: {  	s23 =	sand.u32 $0xFFFFFC00, s22;
	s19 =	sadd.s32 s20, s19;
	s22 =	sand.u32 $0x1FC00, s22  }
0x12: {  	v5 =	vld [tilespmem:s17+$0xFFFFFFD0];
	[tilespmem:s18+$0x2040 ss:$0x81] =	vst.msk $0xffff, v4;
	s25 =	sand.u32 s25, s9;
	s27 =	sadd.s32 s23, s21;
	s23 =	sand.u32 $0x380, s29  }
0x13: {  	v58 =	vld [tilespmem:s17+$0xFFFFFFE0];
	[tilespmem:s18+$0x2850 ss:$0x81] =	vst.msk $0xffff, v3;
	s21 =	sor.u32 s28, s22;
	s22 =	smov.u32 s9;
	s20 =	sshrl.u32 s27, $0x11  }
0x14: {  	v59 =	vld [tilespmem:s17+$0xFFFFFFF0];
	[tilespmem:s18+$0x3060 ss:$0x81] =	vst.msk $0xffff, v2;
	s22 =	simm.s32 @!p1 $0x88;
	p1 =	sgt.s32 s10, $0x1FF80;
	s24 =	smul.u32 $0x3E1, s20  }
0x15: {  	v60 =	vld [tilespmem:s17+$0x0];
	[tilespmem:s18+$0x0 ss:$0x81] =	vst.msk $0xffff, v1;
	s21 =	sor.u32 s23, s21;
	s30 =	ssub.s32 s22, s25;
	s22 =	smov.u32 s10  }
0x16: {  	v61 =	vld [tilespmem:s17+$0x10];
	[tilespmem:s19+$0x3870 ss:$0x81] =	vst.msk $0xffff, v0;
	s25 =	sand.u32 s31, s10;
	s22 =	simm.s32 @!p1 $0x1FF80;
	s24 =	sshrl.u32 s24, $0x12  }
0x17: {  	v62 =	vld [tilespmem:s17+$0x20];
	[tilespmem:s19+$0x810 ss:$0x81] =	vst.msk $0xffff, v5;
	s26 =	sadd.s32 $0xFFFFFF78, s30;
	s22 =	ssub.s32 s22, s25;
	s24 =	smul.u32 $0x108, s24  }
0x18: {  	v63 =	vld [tilespmem:s17+$0xFFFFFFC0];
	[tilespmem:s19+$0x1020 ss:$0x81] =	vst.msk $0xffff, v58;
	s18 =	ssub.s32 $0x108, s30;
	p1 =	sgt.s32 s26, $0x7F;
	s28 =	sadd.s32 $0xFFFE0080, s22  }
0x19: {  	[tilespmem:s19+$0x1830 ss:$0x81] =	vst.msk $0xffff, v59;
	p2 =	sgt.s32 s28, $0x7F;
	s27 =	ssub.s32 s20, s24;
	s20 =	ssub.s32 $0x20000, s22  }
0x1a: {  	s29 =	sshrl.u32 s21, $0x3;
	[tilespmem:s19+$0x2040 ss:$0x81] =	vst.msk $0xffff, v60;
	s18 =	simm.s32 @p1 $0x0;
	s20 =	simm.s32 @p2 $0x0  }
0x1b: {  	[tilespmem:s19+$0x2850 ss:$0x81] =	vst.msk $0xffff, v61;
	s30 =	sand.u32 $0x7, s10;
	s17 =	sand.u32 $0xFFFF, s27;
	s18 =	smul.u32 s20, s18  }
0x1c: {  	[tilespmem:s19+$0x3060 ss:$0x81] =	vst.msk $0xffff, v62;
	s21 =	sshll.u32 s30, $0x12;
	s17 =	sshll.u32 s17, $0xE;
	s20 =	sadd.s32 s3, s29  }
0x1d: {  	[tilespmem:s19+$0x0 ss:$0x81] =	vst.msk $0xffff, v63;
	s31 =	sor.u32 $0x400, s21;
	s17 =	sadd.s32 s17, s20;
	s18 =	sand.u32 $0x3FFFFFFF, s18  }
0x1e: {  	[hbm4b:s17+s31] =	stream.strided.scatter [tilespmem:s16], [sflag:$0x2], s18, s8, s31, $0x20;
	[tilespmem:$0x10100] =	vst v63  }
.LBB1_5:
0x1f: {  	p1 =	slt.u32 s13, $0x2  }
0x20: {  	s17 =	smov.u32 s15;
	p2 =	sgt.s32 @!p1 s15, $0x88;
	s16 =	sshra.s32 @!p1 s15, $0x1F  }
0x21: {  	p3 =	sgt.s32 @!p1 s14, $0x1FF80;
	s18 =	sshra.s32 @!p1 s14, $0x1F;
	p2 =	por !p2, p1  }
0x22: {  	s15 =	sand.u32 @!p1 s16, s15;
	p3 =	por !p3, p1;
	s16 =	smov.u32 s14  }
0x23: {  	s14 =	sand.u32 @!p1 s18, s14;
	s17 =	simm.s32 @p2 $0x88;
	s16 =	simm.s32 @p3 $0x1FF80  }
0x24: {  	s15 =	ssub.s32 @!p1 s17, s15;
	s14 =	ssub.s32 @!p1 s16, s14  }
0x25: {  	s18 =	smov.u32 s12;
	s16 =	sadd.s32 @!p1 $0xFFFFFF78, s15;
	s17 =	sadd.s32 @!p1 $0xFFFE0080, s14  }
0x26: {  	s15 =	ssub.s32 @!p1 $0x108, s15;
	p2 =	sgt.s32 @!p1 s16, $0x7F;
	p3 =	sgt.s32 @!p1 s17, $0x7F  }
0x27: {  	s14 =	ssub.s32 @!p1 $0x20000, s14;
	p2 =	por !p2, p1;
	p3 =	por !p3, p1  }
0x28: {  	s16 =	sadd.s32 $0x80, s11;
	s15 =	simm.s32 @!p2 $0x0;
	s14 =	simm.s32 @!p3 $0x0  }
0x29: {  	p2 =	sgt.s32 s16, $0x101;
	s14 =	smul.u32 @!p1 s14, s15;
	s15 =	sadd.s32 $0x1000, s12  }
0x2a: {  	s18 =	smov.u32 @p2 s15  }
0x2b: {  	s16 =	simm.s32 @p2 $0x0;
	p2 =	sgt.s32 s18, $0x1FFFF  }
0x2c: {  	s18 =	smov.u32 @p2 s2;
	p2 =	sne.s32 s13, s7  }
.Ltmp1:
0x2d: {  	p0 =	por !p0, !p0;
	s17 =	simm.s32 @!p1 $0x2;
	(pc) =	sbr.rel @!p2 .LBB1_6-.Ltmp1, $4  }
0x2e: {  	s15 =	smov.u32 s9;
	s9 =	smov.u32 s11;
	s14 =	sand.u32 @!p1 $0x3FFFFFFF, s14  }
0x2f: {  	s11 =	smov.u32 s16;
	_ =	swait.ge @!p1 [sflag:s17], s14;
	s19 =	ssub.s32 @!p1 $0x0, s14  }
0x30: {  	s14 =	smov.u32 s10;
	s13 =	sadd.s32 $0x1, s13;
	[sflag:s17] =	ssyncset.done @!p1 $0x0  }
0x31: {  	s10 =	smov.u32 s12;
	s12 =	smov.u32 s18;
	[sflag:s17] =	ssyncadd.s32 @!p1 s19  }
.LBB1_1:
0x32: {  	p1 =	sge.u32 s13, s5  }
0x33: {  	s16 =	sshrl.u32 @!p1 s12, $0x3  }
0x34: {  	s17 =	sshll.u32 @!p1 s11, $0x3;
	s16 =	smul.u32 @!p1 $0xC00, s16  }
0x35: {  	s18 =	sshll.u32 @!p1 s12, $0x7;
	s17 =	sand.u32 @!p1 $0xFFFFFC00, s17  }
0x36: {  	s16 =	sadd.s32 @!p1 s16, s17;
	s17 =	sand.u32 @!p1 $0x380, s18  }
0x37: {  	s18 =	sand.u32 @!p1 $0x7F, s11;
	s16 =	sor.u32 @!p1 s17, s16  }
0x38: {  	s17 =	sor.u32 @!p1 s18, s16  }
0x39: {  	s18 =	smulhi.u32 @!p1 $0xAAAAAAAB, s17;
	_ =	sdelay $0x1  }
0x3a: {  	s16 =	smulhi.u32 @!p1 $0xAAAAAAAB, s16;
	s18 =	sshrl.u32 @!p1 s18, $0x8  }
0x3b: {  	s18 =	smul.u32 @!p1 $0x180, s18  }
0x3c: {  	s31 =	sadd.s32 $0xFFFFFFFF, s13;
	s19 =	sxor.u32 @!p1 $0xFFFFFFFF, s13;
	s16 =	sshrl.u32 @!p1 s16, $0x8  }
0x3d: {  	s19 =	sshll.u32 @!p1 s19, $0xE;
	s16 =	sand.u32 @!p1 $0x1FFFF, s16;
	s17 =	ssub.s32 @!p1 s17, s18  }
0x3e: {  	s16 =	smul.u32 @!p1 $0x30, s16;
	s18 =	sshrl.u32 @!p1 s17, $0x3;
	s17 =	sand.u32 @!p1 $0x7, s17  }
0x3f: {  	s19 =	sand.u32 @!p1 $0x4000, s19;
	s18 =	sadd.s32 @!p1 s6, s18;
	s17 =	sshll.u32 @!p1 s17, $0x12  }
0x40: {  	s16 =	sadd.s32 @!p1 s16, s18;
	s17 =	sor.u32 @!p1 $0x400, s17;
	s18 =	simm.s32 @!p1 $0xC00  }
0x41: {  	[tilespmem:s19], [sflag:$0x1] =	stream.strided.gather @!p1 [hbm4b:s16+s17], $0x4000, s18, s17, $0x38;
	[tilespmem:$0x10100] =	vst v63  }
0x42: {  	p1 =	sge.u32 s31, s5  }
.Ltmp2:
0x43: {  	_ = 	snop;
	(pc) =	sbr.rel @p1 .LBB1_5-.Ltmp2, $1  }
0x44: {  	_ =	sdelay $0x3  }
0x45: {  	s16 =	simm.s32 $0x1  }
0x46: {  	_ =	swait.ge [sflag:s4], $0x4000;
	s16 =	simm.s32 @!p0 $0x0  }
0x47: {  	[sflag:s4] =	ssyncset.done $0x0;
	s17 =	sshll.u32 s16, $0xE  }
0x48: {  	[sflag:s4] =	ssyncadd.s32 $0xFFFFC000;
	s17 =	sor.u32 $0x40, s17  }
0x49: {  	s16 =	smul.u32 $0x10200, s16;
	v0 =	vld [tilespmem:s17+$0x30]  }
0x4a: {  	v1 =	vld [tilespmem:s17+$0xFFFFFFD0]  }
0x4b: {  	s16 =	sshrl.u32 s16, $0x2;
	v5 =	vld [tilespmem:s17+$0xFFFFFFE0]  }
0x4c: {  	v6 =	vld [tilespmem:s17+$0xFFFFFFF0];
	s19 =	sor.u32 $0x8000, s16  }
0x4d: {  	s31 =	sand.u32 $0x1, s13;
	v4 =	vld [tilespmem:s17+$0x0];
	s18 =	sadd.s32 $0x0, s19  }
0x4e: {  	v3 =	vld [tilespmem:s17+$0x10];
	s16 =	smul.u32 $0x10200, s31;
	[tilespmem:s18+$0x3870 ss:$0x81] =	vst.msk $0xffff, v0  }
0x4f: {  	v2 =	vld [tilespmem:s17+$0x20];
	[tilespmem:s18+$0x810 ss:$0x81] =	vst.msk $0xffff, v1  }
0x50: {  	s16 =	sshrl.u32 s16, $0x2;
	v1 =	vld [tilespmem:s17+$0xFFFFFFC0];
	[tilespmem:s18+$0x1020 ss:$0x81] =	vst.msk $0xffff, v5;
	s17 =	sadd.s32 $0x80, s17  }
0x51: {  	s20 =	simm.s32 $0x4;
	s21 =	simm.s32 $0x8;
	s16 =	sor.u32 $0x8000, s16;
	[tilespmem:s18+$0x1830 ss:$0x81] =	vst.msk $0xffff, v6;
	v0 =	vld [tilespmem:s17+$0x30]  }
.LBB1_3:
0x52: {  	p1 =	sne.s32 s21, $0x1FC;
	v5 =	vld [tilespmem:s17+$0xFFFFFFD0];
	[tilespmem:s18+$0x2040 ss:$0x81] =	vst.msk $0xffff, v4  }
0x53: {  	v6 =	vld [tilespmem:s17+$0xFFFFFFE0];
	[tilespmem:s18+$0x2850 ss:$0x81] =	vst.msk $0xffff, v3  }
0x54: {  	s22 =	sshra.s32 s20, $0x2;
	s20 =	smov.u32 s21;
	v7 =	vld [tilespmem:s17+$0xFFFFFFF0];
	[tilespmem:s18+$0x3060 ss:$0x81] =	vst.msk $0xffff, v2  }
.Ltmp3:
0x55: {  	v4 =	vld [tilespmem:s17+$0x0];
	[tilespmem:s18+$0x0 ss:$0x81] =	vst.msk $0xffff, v1;
	s18 =	sadd.s32 s22, s19;
	(pc) =	sbr.rel @p1 .LBB1_3-.Ltmp3, $4  }
0x56: {  	v3 =	vld [tilespmem:s17+$0x10];
	[tilespmem:s18+$0x3870 ss:$0x81] =	vst.msk $0xffff, v0  }
0x57: {  	[tilespmem:s18+$0x810 ss:$0x81] =	vst.msk $0xffff, v5;
	v2 =	vld [tilespmem:s17+$0x20]  }
0x58: {  	v1 =	vld [tilespmem:s17+$0xFFFFFFC0];
	[tilespmem:s18+$0x1020 ss:$0x81] =	vst.msk $0xffff, v6;
	s17 =	sadd.s32 $0x80, s17  }
0x59: {  	s21 =	sadd.s32 $0x4, s21;
	v0 =	vld [tilespmem:s17+$0x30];
	[tilespmem:s18+$0x1830 ss:$0x81] =	vst.msk $0xffff, v7  }
.Ltmp4:
0x5a: {  	_ = 	snop;
	(pc) =	sbr.rel .LBB1_4-.Ltmp4, $1  }
0x5b: {  	_ =	sdelay $0x3  }
.LBB1_6:
0x5c: {  	_ =	sfence.sel $0x180000  }
0x5d: {  	s2 =	simm.s32 $0x1;
	[bflag:$0x0] =	sbarrier.arrive $0xFFFF  }
0x5e: {  	s31 =	simm.s32 $0x2;
	[sflag:s2] =	ssyncpa.u1 $0x1  }
0x5f: {  	[sflag:s31] =	ssyncpa.u1 $0x1  }
0x60: {  	p0 =	sne.s32 s0, $0x0;
	_ =	strace $0x9000004A  }
0x61: {  	s0 =	sadd.s32 @!p0 $0x100000, s1;
	[bflag:$0x2] =	sbarrier.arrive $0xFFFF  }
0x62: {  	[sflag:s0] =	ssyncadd.tile.s32 @!p0 $0x1;
	_ =	shalt  }
.Lfunc_end1:
_tile_overlayer_lowered:
.L_overlay_start_2:
0x63: {  	(tag) =	ssettag $0x2  }
0x64: {  	s0 =	rddreg [dreg:$0x0];
	s2 =	stileid.u32  }
0x65: {  	s1 =	rddreg [dreg:$0x1];
	p0 =	sne.s32 s2, $0x0  }
0x66: {  	s3 =	rddreg [dreg:$0x2];
	[bflag:$0x3] =	sbarrier.arrive $0xFFFF;
	s2 =	simm.s32 @!p0 $0x1C01  }
0x67: {  	[timem:s3], [sflag:s2] =	dma.local @!p0 [hbm:s0], s1  }
0x68: {  	s0 =	simm.s32 @!p0 $0x1  }
0x69: {  	_ =	swait.ge @!p0 [sflag:s0], s1  }
0x6a: {  	s1 =	ssub.s32 @!p0 $0x0, s1;
	[sflag:s0] =	ssyncset.done @!p0 $0x0  }
0x6b: {  	[sflag:s0] =	ssyncadd.s32 @!p0 s1  }
0x6c: {  	[bflag:$0x3] =	sbarrier.arrive $0xFFFF  }
0x6d: {  	_ =	shalt  }

</sc_bundles>
